<compile_context>
chip_gen: v7x
topology: tpu7x:2x2x1
jax: 0.10.2.dev20260603
libtpu: 0.0.44.dev20260713+nightly
codegen_flags: <defaults>
</compile_context>

<pallas_src>
import functools

import jax
import jax.numpy as jnp
from jax import lax
from jax.experimental import pallas as pl
from jax.experimental.pallas import tpu as pltpu
from jax.experimental.pallas import tpu_sc as plsc

N_CODES = 8192
DIM = 32
N_ROWS = 8192
R_BLK = 1024
C_BLK = 2048
N_RB = N_ROWS // R_BLK
N_CB = N_CODES // C_BLK



def _rne_bf16(v):
    b = lax.bitcast_convert_type(v, jnp.int32)
    r = (b + 0x7FFF + ((b >> 16) & 1)) & jnp.int32(-65536)
    return lax.bitcast_convert_type(r, jnp.float32)


def _dist_body(xb_ref, e_ref, x2_ref, e2_ref, idx_ref, minv, wtile, wloc,
               mrow):
    c = pl.program_id(1)
    xb = xb_ref[...]
    e = e_ref[...]
    mm = lax.dot_general(xb, e, (((1,), (1,)), ((), ())),
                         preferred_element_type=jnp.float32)
    d2 = (x2_ref[...][:, None] - mm) + e2_ref[...][None, :]
    mrow[...] = jnp.min(d2, axis=1)
    m = mrow[...]
    s = jnp.sqrt(jnp.maximum(m, 0.0))
    bits0 = lax.bitcast_convert_type(s * s, jnp.int32)
    big = jnp.float32(-jnp.inf)
    bound = jnp.full_like(m, big)
    for k in range(-3, 5):
        xk = lax.bitcast_convert_type(bits0 + k, jnp.float32)
        ok = jnp.sqrt(xk) == s
        bound = jnp.maximum(bound, jnp.where(ok, xk, big))
    bound = jnp.maximum(bound, m)
    col = lax.broadcasted_iota(jnp.int32, (R_BLK, C_BLK), 1)
    loc = jnp.min(jnp.where(d2 <= bound[:, None], col, C_BLK), axis=1)

    @pl.when(c == 0)
    def _():
        minv[...] = _rne_bf16(s)
        wtile[...] = jnp.zeros((R_BLK,), jnp.int32)
        wloc[...] = loc

    @pl.when(c > 0)
    def _():
        better = s < minv[...]
        minv[...] = jnp.where(better, _rne_bf16(s), minv[...])
        wtile[...] = jnp.where(better, c, wtile[...])
        wloc[...] = jnp.where(better, loc, wloc[...])

    @pl.when(c == N_CB - 1)
    def _():
        idx_ref[...] = wtile[...] * C_BLK + wloc[...]


_dist_call = pl.pallas_call(
    _dist_body,
    grid=(N_RB, N_CB),
    in_specs=[
        pl.BlockSpec((R_BLK, DIM), lambda r, c: (r, 0)),
        pl.BlockSpec((C_BLK, DIM), lambda r, c: (c, 0)),
        pl.BlockSpec((R_BLK,), lambda r, c: (r,)),
        pl.BlockSpec((C_BLK,), lambda r, c: (c,)),
    ],
    out_specs=pl.BlockSpec((R_BLK,), lambda r, c: (r,)),
    out_shape=jax.ShapeDtypeStruct((N_ROWS,), jnp.int32),
    scratch_shapes=[
        pltpu.VMEM((R_BLK,), jnp.float32),
        pltpu.VMEM((R_BLK,), jnp.int32),
        pltpu.VMEM((R_BLK,), jnp.int32),
        pltpu.VMEM((R_BLK,), jnp.float32),
    ],
    compiler_params=pltpu.CompilerParams(
        dimension_semantics=("arbitrary", "arbitrary")),
)


_NC = 2
_NS = 16
_NW = _NC * _NS
_BPW = N_ROWS // _NW
_HALF = _BPW // 2

@functools.cache
def _sc_gather_hist_call():
    mesh = plsc.VectorSubcoreMesh(core_axis_name="c", subcore_axis_name="s")
    return pl.kernel(
        _sc_gather_hist,
        out_type=[
            jax.ShapeDtypeStruct((N_ROWS, DIM), jnp.float32),
            jax.ShapeDtypeStruct((_NC, N_CODES), jnp.float32),
        ],
        mesh=mesh,
        scratch_types=[
            pltpu.VMEM((_HALF,), jnp.int32),
            pltpu.VMEM((_HALF,), jnp.int32),
            pltpu.VMEM((_BPW, DIM), jnp.float32),
            pltpu.VMEM((_HALF,), jnp.float32),
            pltpu.VMEM_SHARED((N_CODES,), jnp.float32),
            pltpu.SemaphoreType.DMA,
        ],
        compiler_params=pltpu.CompilerParams(use_tc_tiling_on_sc=False),
    )


def _sc_gather_hist(table_hbm, idx_hbm, zeros_hbm, quant_hbm, counts_hbm,
                    idx_a, idx_b, rows_v, ones_v, hist_sh, sem):
    cid = lax.axis_index("c")
    sid = lax.axis_index("s")
    wid = sid * _NC + cid
    base = wid * _BPW

    @pl.when(sid == 0)
    def _():
        pltpu.sync_copy(zeros_hbm.at[cid], hist_sh)

    pltpu.sync_copy(idx_hbm.at[pl.ds(base, _HALF)], idx_a)
    pltpu.sync_copy(idx_hbm.at[pl.ds(base + _HALF, _HALF)], idx_b)

    cp0 = pltpu.async_copy(table_hbm.at[idx_a], rows_v.at[pl.ds(0, _HALF)], sem)
    cp1 = pltpu.async_copy(table_hbm.at[idx_b], rows_v.at[pl.ds(_HALF, _HALF)],
                           sem)
    cp0.wait()
    cp1.wait()
    pltpu.sync_copy(rows_v, quant_hbm.at[pl.ds(base, _BPW)])

    for i in range(_HALF // 16):
        ones_v[pl.ds(i * 16, 16)] = jnp.ones((16,), jnp.float32)
    plsc.subcore_barrier()
    pltpu.sync_copy(ones_v, hist_sh.at[idx_a], add=True)
    pltpu.sync_copy(ones_v, hist_sh.at[idx_b], add=True)
    plsc.subcore_barrier()

    @pl.when(sid == 0)
    def _():
        pltpu.sync_copy(hist_sh, counts_hbm.at[cid])




def _scalar_body(x_ref, q_ref, pc_ref, w_ref, loss_ref, perp_ref, usage_ref):
    x = x_ref[...]
    q = q_ref[...]
    diff = q - x
    loss = jnp.sum(diff * diff) * (1.0 / (N_ROWS * DIM))
    loss_ref[...] = jnp.reshape(loss, (1, 1))
    counts = pc_ref[0, :] + pc_ref[1, :]
    p = counts * (1.0 / N_ROWS)
    ent = jnp.sum(p * jnp.log(p + 1e-10))
    perp_ref[...] = jnp.reshape(jnp.exp(-ent), (1, 1))
    usage = jnp.sum((w_ref[...] >= 0.01).astype(jnp.int32))
    usage_ref[...] = jnp.reshape(usage, (1, 1))


_scalar_call = pl.pallas_call(
    _scalar_body,
    out_shape=[
        jax.ShapeDtypeStruct((1, 1), jnp.float32),
        jax.ShapeDtypeStruct((1, 1), jnp.float32),
        jax.ShapeDtypeStruct((1, 1), jnp.int32),
    ],
)



def kernel(inputs, embedding_weight, weight):
    x_flat = jnp.transpose(inputs, (0, 2, 3, 1)).reshape(N_ROWS, DIM)
    xb = (2.0 * x_flat).astype(jnp.bfloat16).astype(jnp.float32)
    x2 = jnp.sum(x_flat * x_flat, axis=1)
    e2 = jnp.sum(embedding_weight * embedding_weight, axis=1)
    indices = _dist_call(xb, embedding_weight, x2, e2)
    zeros = jnp.zeros((_NC, N_CODES), jnp.float32)
    quant, pcounts = _sc_gather_hist_call()(embedding_weight, indices, zeros)
    loss, perp, usage = _scalar_call(x_flat, quant, pcounts, weight)
    out = jnp.transpose(quant.reshape(inputs.shape[0], 32, 32, DIM),
                        (0, 3, 1, 2))
    return (out, loss.reshape(()), perp.reshape(()), usage.reshape(()),
            indices)

# --- scband reference (transcript-rebuilt; emitter-appended) ---
"""Pipeline reference for scband-vector-quantizer-70325794505310 (READ-ONLY COPY).

The authoritative reference and input builder live on the scoring server;
editing this copy changes nothing except your own understanding.
"""

import jax, jax.numpy as jnp
import numpy as np

N_EMB = 8192
EMB_DIM = 32


def setup_inputs(seed: int = 0) -> dict:
    key = jax.random.key(seed)
    k1, k2 = jax.random.split(key)
    inputs = jax.random.normal(k1, (8, 32, 32, 32), dtype=jnp.float32)
    embedding_weight = jax.random.normal(k2, (N_EMB, EMB_DIM), dtype=jnp.float32)
    weight = jnp.ones((N_EMB,), dtype=jnp.float32)
    return {"inputs": inputs, "embedding_weight": embedding_weight, "weight": weight}


def reference(inputs, embedding_weight, weight):
    # NCHW -> NHWC
    x = jnp.transpose(inputs, (0, 2, 3, 1))
    input_shape = x.shape
    flat_input = x.reshape(-1, EMB_DIM)
    usage = jnp.sum(weight >= 0.01).astype(jnp.int32)
    # torch.cdist (euclidean) via expanded norms
    d2 = (jnp.sum(flat_input ** 2, axis=1, keepdims=True)
          - 2.0 * flat_input @ embedding_weight.T
          + jnp.sum(embedding_weight ** 2, axis=1)[None, :])
    distances = jnp.sqrt(jnp.maximum(d2, 0.0))
    indices = jnp.argmin(distances, axis=1)
    mask = jax.nn.one_hot(indices, N_EMB, dtype=flat_input.dtype)
    avg_probs = jnp.mean(mask, axis=0)
    perplexity = jnp.exp(-jnp.sum(avg_probs * jnp.log(avg_probs + 1e-10)))
    quant = jnp.take(embedding_weight, indices, axis=0).reshape(input_shape)
    # straight-through estimator
    quantized = jax.lax.stop_gradient(quant) + x - jax.lax.stop_gradient(x)
    commitment_loss = jnp.mean((jax.lax.stop_gradient(quantized) - x) ** 2)
    out = jnp.transpose(quantized, (0, 3, 1, 2))
    return out, commitment_loss, perplexity, usage, indices

if __name__ == "__main__":
    import jax
    _d = setup_inputs()
    print(jax.jit(kernel)(*tuple(_d.values())))

</pallas_src>

<mosaic_0001>
#map = affine_map<(d0, d1) -> (0, 0)>
#map1 = affine_map<(d0, d1) -> (0)>
module attributes {stable_mosaic.version = 14 : i64} {
  func.func @_sc_gather_hist(%arg0: i32, %arg1: i32, %arg2: memref<8192x32xf32, #tpu.memory_space<hbm>>, %arg3: memref<8192xi32, #tpu.memory_space<hbm>>, %arg4: memref<2x8192xf32, #tpu.memory_space<hbm>>, %arg5: memref<8192x32xf32, #tpu.memory_space<hbm>>, %arg6: memref<2x8192xf32, #tpu.memory_space<hbm>>, %arg7: memref<128xi32, #tpu.memory_space<vmem>>, %arg8: memref<128xi32, #tpu.memory_space<vmem>>, %arg9: memref<256x32xf32, #tpu.memory_space<vmem>>, %arg10: memref<128xf32, #tpu.memory_space<vmem>>, %arg11: memref<8192xf32, #tpu.memory_space<vmem_shared>>, %arg12: memref<!tpu.dma_semaphore, #tpu.memory_space<semaphore_mem>>) attributes {dimension_semantics = [#tpu.dimension_semantics<core_parallel>, #tpu.dimension_semantics<subcore_parallel>], iteration_bounds = array<i64: 2, 16>, scalar_prefetch = 0 : i64, scratch_operands = 6 : i64, tpu.core_type = #tpu.core_type<sc_vector_subcore>, window_params = [{transform_indices = #map}, {transform_indices = #map1}, {transform_indices = #map}, {transform_indices = #map}, {transform_indices = #map}]} {
    %mul3A = arith.constant 2 : i32
    %mul3A_0 = arith.muli %arg1, %mul3A : i32
    %add3A = arith.addi %mul3A_0, %arg0 : i32
    %mul3A_1 = arith.constant 256 : i32
    %mul3A_2 = arith.muli %add3A, %mul3A_1 : i32
    %eq3A = arith.constant 0 : i32
    %eq3A_3 = arith.cmpi eq, %arg1, %eq3A : i32
    %convert_element_type3A = arith.extui %eq3A_3 : i1 to i32
    %cond3A = arith.constant 0 : i32
    %cond3A_4 = arith.cmpi ne, %convert_element_type3A, %cond3A : i32
    scf.if %cond3A_4 {
      "tpu.region"() ({
        %run_scoped3A = tpu.sem_alloc : memref<!tpu.dma_semaphore, #tpu.memory_space<semaphore_mem>>
        %dma_start3A_81 = arith.constant 0 : i32
        %dma_start3A_82 = tpu.memref_slice %arg4[%arg0, %dma_start3A_81] : memref<2x8192xf32, #tpu.memory_space<hbm>> -> memref<1x8192xf32, #tpu.memory_space<hbm>>
        %dma_start3A_83 = tpu.memref_squeeze %dma_start3A_82 : memref<1x8192xf32, #tpu.memory_space<hbm>> -> memref<8192xf32, #tpu.memory_space<hbm>>
        tpu.enqueue_dma source(%dma_start3A_83 : memref<8192xf32, #tpu.memory_space<hbm>>) target(%arg11 : memref<8192xf32, #tpu.memory_space<vmem_shared>>) target_semaphore(%run_scoped3A : memref<!tpu.dma_semaphore, #tpu.memory_space<semaphore_mem>>)
        %dma_wait3A_84 = arith.constant 0 : i32
        %dma_wait3A_85 = tpu.memref_slice %arg4[%arg0, %dma_wait3A_84] : memref<2x8192xf32, #tpu.memory_space<hbm>> -> memref<1x8192xf32, #tpu.memory_space<hbm>>
        %dma_wait3A_86 = tpu.memref_squeeze %dma_wait3A_85 : memref<1x8192xf32, #tpu.memory_space<hbm>> -> memref<8192xf32, #tpu.memory_space<hbm>>
        tpu.wait_dma2 semaphore(%run_scoped3A : memref<!tpu.dma_semaphore, #tpu.memory_space<semaphore_mem>>) src(%dma_wait3A_86 : memref<8192xf32, #tpu.memory_space<hbm>>) dst(%arg11 : memref<8192xf32, #tpu.memory_space<vmem_shared>>)
        tpu.yield
      }) : () -> ()
    } else {
    }
    "tpu.region"() ({
      %run_scoped3A = tpu.sem_alloc : memref<!tpu.dma_semaphore, #tpu.memory_space<semaphore_mem>>
      %dma_start3A_81 = tpu.memref_slice %arg3[%mul3A_2] : memref<8192xi32, #tpu.memory_space<hbm>> -> memref<128xi32, #tpu.memory_space<hbm>>
      %dma_start3A_82 = tpu.memref_slice %arg3[%mul3A_2] : memref<8192xi32, #tpu.memory_space<hbm>> -> memref<128xi32, #tpu.memory_space<hbm>>
      tpu.enqueue_dma source(%dma_start3A_82 : memref<128xi32, #tpu.memory_space<hbm>>) target(%arg7 : memref<128xi32, #tpu.memory_space<vmem>>) target_semaphore(%run_scoped3A : memref<!tpu.dma_semaphore, #tpu.memory_space<semaphore_mem>>)
      %dma_wait3A_83 = tpu.memref_slice %arg3[%mul3A_2] : memref<8192xi32, #tpu.memory_space<hbm>> -> memref<128xi32, #tpu.memory_space<hbm>>
      %dma_wait3A_84 = tpu.memref_slice %arg3[%mul3A_2] : memref<8192xi32, #tpu.memory_space<hbm>> -> memref<128xi32, #tpu.memory_space<hbm>>
      tpu.wait_dma2 semaphore(%run_scoped3A : memref<!tpu.dma_semaphore, #tpu.memory_space<semaphore_mem>>) src(%dma_wait3A_84 : memref<128xi32, #tpu.memory_space<hbm>>) dst(%arg7 : memref<128xi32, #tpu.memory_space<vmem>>)
      tpu.yield
    }) : () -> ()
    %add3A_5 = arith.constant 128 : i32
    %add3A_6 = arith.addi %mul3A_2, %add3A_5 : i32
    "tpu.region"() ({
      %run_scoped3A = tpu.sem_alloc : memref<!tpu.dma_semaphore, #tpu.memory_space<semaphore_mem>>
      %dma_start3A_81 = tpu.memref_slice %arg3[%add3A_6] : memref<8192xi32, #tpu.memory_space<hbm>> -> memref<128xi32, #tpu.memory_space<hbm>>
      %dma_start3A_82 = tpu.memref_slice %arg3[%add3A_6] : memref<8192xi32, #tpu.memory_space<hbm>> -> memref<128xi32, #tpu.memory_space<hbm>>
      tpu.enqueue_dma source(%dma_start3A_82 : memref<128xi32, #tpu.memory_space<hbm>>) target(%arg8 : memref<128xi32, #tpu.memory_space<vmem>>) target_semaphore(%run_scoped3A : memref<!tpu.dma_semaphore, #tpu.memory_space<semaphore_mem>>)
      %dma_wait3A_83 = tpu.memref_slice %arg3[%add3A_6] : memref<8192xi32, #tpu.memory_space<hbm>> -> memref<128xi32, #tpu.memory_space<hbm>>
      %dma_wait3A_84 = tpu.memref_slice %arg3[%add3A_6] : memref<8192xi32, #tpu.memory_space<hbm>> -> memref<128xi32, #tpu.memory_space<hbm>>
      tpu.wait_dma2 semaphore(%run_scoped3A : memref<!tpu.dma_semaphore, #tpu.memory_space<semaphore_mem>>) src(%dma_wait3A_84 : memref<128xi32, #tpu.memory_space<hbm>>) dst(%arg8 : memref<128xi32, #tpu.memory_space<vmem>>)
      tpu.yield
    }) : () -> ()
    %dma_start3A = arith.constant 0 : i32
    %dma_start3A_7 = arith.constant 0 : i32
    %dma_start3A_8 = tpu.memref_slice %arg9[%dma_start3A, %dma_start3A_7] : memref<256x32xf32, #tpu.memory_space<vmem>> -> memref<128x32xf32, #tpu.memory_space<vmem>>
    %dma_start3A_9 = arith.constant 0 : i32
    %dma_start3A_10 = arith.constant 0 : i32
    %dma_start3A_11 = tpu.memref_slice %arg2[%dma_start3A_9, %dma_start3A_10] : memref<8192x32xf32, #tpu.memory_space<hbm>> -> memref<8192x32xf32, #tpu.memory_space<hbm>>
    tpu.enqueue_indirect_dma source(%dma_start3A_11 : memref<8192x32xf32, #tpu.memory_space<hbm>>) target(%dma_start3A_8 : memref<128x32xf32, #tpu.memory_space<vmem>>) offsets(%arg7 : memref<128xi32, #tpu.memory_space<vmem>>) semaphore(%arg12 : memref<!tpu.dma_semaphore, #tpu.memory_space<semaphore_mem>>)
    %dma_start3A_12 = arith.constant 128 : i32
    %dma_start3A_13 = arith.constant 0 : i32
    %dma_start3A_14 = tpu.memref_slice %arg9[%dma_start3A_12, %dma_start3A_13] : memref<256x32xf32, #tpu.memory_space<vmem>> -> memref<128x32xf32, #tpu.memory_space<vmem>>
    %dma_start3A_15 = arith.constant 0 : i32
    %dma_start3A_16 = arith.constant 0 : i32
    %dma_start3A_17 = tpu.memref_slice %arg2[%dma_start3A_15, %dma_start3A_16] : memref<8192x32xf32, #tpu.memory_space<hbm>> -> memref<8192x32xf32, #tpu.memory_space<hbm>>
    tpu.enqueue_indirect_dma source(%dma_start3A_17 : memref<8192x32xf32, #tpu.memory_space<hbm>>) target(%dma_start3A_14 : memref<128x32xf32, #tpu.memory_space<vmem>>) offsets(%arg8 : memref<128xi32, #tpu.memory_space<vmem>>) semaphore(%arg12 : memref<!tpu.dma_semaphore, #tpu.memory_space<semaphore_mem>>)
    %dma_wait3A = arith.constant 0 : i32
    %dma_wait3A_18 = arith.constant 0 : i32
    %dma_wait3A_19 = tpu.memref_slice %arg9[%dma_wait3A, %dma_wait3A_18] : memref<256x32xf32, #tpu.memory_space<vmem>> -> memref<128x32xf32, #tpu.memory_space<vmem>>
    %dma_wait3A_20 = arith.constant 0 : i32
    %dma_wait3A_21 = arith.constant 0 : i32
    %dma_wait3A_22 = tpu.memref_slice %arg2[%dma_wait3A_20, %dma_wait3A_21] : memref<8192x32xf32, #tpu.memory_space<hbm>> -> memref<8192x32xf32, #tpu.memory_space<hbm>>
    tpu.wait_indirect_dma semaphore(%arg12 : memref<!tpu.dma_semaphore, #tpu.memory_space<semaphore_mem>>) src(%dma_wait3A_22 : memref<8192x32xf32, #tpu.memory_space<hbm>>) dst(%dma_wait3A_19 : memref<128x32xf32, #tpu.memory_space<vmem>>)
    %dma_wait3A_23 = arith.constant 128 : i32
    %dma_wait3A_24 = arith.constant 0 : i32
    %dma_wait3A_25 = tpu.memref_slice %arg9[%dma_wait3A_23, %dma_wait3A_24] : memref<256x32xf32, #tpu.memory_space<vmem>> -> memref<128x32xf32, #tpu.memory_space<vmem>>
    %dma_wait3A_26 = arith.constant 0 : i32
    %dma_wait3A_27 = arith.constant 0 : i32
    %dma_wait3A_28 = tpu.memref_slice %arg2[%dma_wait3A_26, %dma_wait3A_27] : memref<8192x32xf32, #tpu.memory_space<hbm>> -> memref<8192x32xf32, #tpu.memory_space<hbm>>
    tpu.wait_indirect_dma semaphore(%arg12 : memref<!tpu.dma_semaphore, #tpu.memory_space<semaphore_mem>>) src(%dma_wait3A_28 : memref<8192x32xf32, #tpu.memory_space<hbm>>) dst(%dma_wait3A_25 : memref<128x32xf32, #tpu.memory_space<vmem>>)
    "tpu.region"() ({
      %run_scoped3A = tpu.sem_alloc : memref<!tpu.dma_semaphore, #tpu.memory_space<semaphore_mem>>
      %dma_start3A_81 = arith.constant 0 : i32
      %dma_start3A_82 = tpu.memref_slice %arg5[%mul3A_2, %dma_start3A_81] : memref<8192x32xf32, #tpu.memory_space<hbm>> -> memref<256x32xf32, #tpu.memory_space<hbm>>
      %dma_start3A_83 = arith.constant 0 : i32
      %dma_start3A_84 = tpu.memref_slice %arg5[%mul3A_2, %dma_start3A_83] : memref<8192x32xf32, #tpu.memory_space<hbm>> -> memref<256x32xf32, #tpu.memory_space<hbm>>
      tpu.enqueue_dma source(%arg9 : memref<256x32xf32, #tpu.memory_space<vmem>>) target(%dma_start3A_84 : memref<256x32xf32, #tpu.memory_space<hbm>>) target_semaphore(%run_scoped3A : memref<!tpu.dma_semaphore, #tpu.memory_space<semaphore_mem>>)
      %dma_wait3A_85 = arith.constant 0 : i32
      %dma_wait3A_86 = tpu.memref_slice %arg5[%mul3A_2, %dma_wait3A_85] : memref<8192x32xf32, #tpu.memory_space<hbm>> -> memref<256x32xf32, #tpu.memory_space<hbm>>
      %dma_wait3A_87 = arith.constant 0 : i32
      %dma_wait3A_88 = tpu.memref_slice %arg5[%mul3A_2, %dma_wait3A_87] : memref<8192x32xf32, #tpu.memory_space<hbm>> -> memref<256x32xf32, #tpu.memory_space<hbm>>
      tpu.wait_dma2 semaphore(%run_scoped3A : memref<!tpu.dma_semaphore, #tpu.memory_space<semaphore_mem>>) src(%arg9 : memref<256x32xf32, #tpu.memory_space<vmem>>) dst(%dma_wait3A_88 : memref<256x32xf32, #tpu.memory_space<hbm>>)
      tpu.yield
    }) : () -> ()
    %broadcast_in_dim3A = arith.constant 1.000000e+00 : f32
    %broadcast_in_dim3A_29 = vector.broadcast %broadcast_in_dim3A : f32 to vector<16xf32>
    %swap3A = arith.constant 0 : index
    %swap3A_30 = tpu.vector_load %arg10[%swap3A] {strides = array<i32>} : memref<128xf32, #tpu.memory_space<vmem>>, vector<16xf32>,
    %swap3A_31 = vector.shape_cast %swap3A_30 : vector<16xf32> to vector<16xf32>
    %swap3A_32 = vector.shape_cast %broadcast_in_dim3A_29 : vector<16xf32> to vector<16xf32>
    tpu.vector_store %arg10[%swap3A], %swap3A_32 {strides = array<i32>} : memref<128xf32, #tpu.memory_space<vmem>>, vector<16xf32>,
    %broadcast_in_dim3A_33 = arith.constant 1.000000e+00 : f32
    %broadcast_in_dim3A_34 = vector.broadcast %broadcast_in_dim3A_33 : f32 to vector<16xf32>
    %swap3A_35 = arith.constant 16 : index
    %swap3A_36 = tpu.vector_load %arg10[%swap3A_35] {strides = array<i32>} : memref<128xf32, #tpu.memory_space<vmem>>, vector<16xf32>,
    %swap3A_37 = vector.shape_cast %swap3A_36 : vector<16xf32> to vector<16xf32>
    %swap3A_38 = vector.shape_cast %broadcast_in_dim3A_34 : vector<16xf32> to vector<16xf32>
    tpu.vector_store %arg10[%swap3A_35], %swap3A_38 {strides = array<i32>} : memref<128xf32, #tpu.memory_space<vmem>>, vector<16xf32>,
    %broadcast_in_dim3A_39 = arith.constant 1.000000e+00 : f32
    %broadcast_in_dim3A_40 = vector.broadcast %broadcast_in_dim3A_39 : f32 to vector<16xf32>
    %swap3A_41 = arith.constant 32 : index
    %swap3A_42 = tpu.vector_load %arg10[%swap3A_41] {strides = array<i32>} : memref<128xf32, #tpu.memory_space<vmem>>, vector<16xf32>,
    %swap3A_43 = vector.shape_cast %swap3A_42 : vector<16xf32> to vector<16xf32>
    %swap3A_44 = vector.shape_cast %broadcast_in_dim3A_40 : vector<16xf32> to vector<16xf32>
    tpu.vector_store %arg10[%swap3A_41], %swap3A_44 {strides = array<i32>} : memref<128xf32, #tpu.memory_space<vmem>>, vector<16xf32>,
    %broadcast_in_dim3A_45 = arith.constant 1.000000e+00 : f32
    %broadcast_in_dim3A_46 = vector.broadcast %broadcast_in_dim3A_45 : f32 to vector<16xf32>
    %swap3A_47 = arith.constant 48 : index
    %swap3A_48 = tpu.vector_load %arg10[%swap3A_47] {strides = array<i32>} : memref<128xf32, #tpu.memory_space<vmem>>, vector<16xf32>,
    %swap3A_49 = vector.shape_cast %swap3A_48 : vector<16xf32> to vector<16xf32>
    %swap3A_50 = vector.shape_cast %broadcast_in_dim3A_46 : vector<16xf32> to vector<16xf32>
    tpu.vector_store %arg10[%swap3A_47], %swap3A_50 {strides = array<i32>} : memref<128xf32, #tpu.memory_space<vmem>>, vector<16xf32>,
    %broadcast_in_dim3A_51 = arith.constant 1.000000e+00 : f32
    %broadcast_in_dim3A_52 = vector.broadcast %broadcast_in_dim3A_51 : f32 to vector<16xf32>
    %swap3A_53 = arith.constant 64 : index
    %swap3A_54 = tpu.vector_load %arg10[%swap3A_53] {strides = array<i32>} : memref<128xf32, #tpu.memory_space<vmem>>, vector<16xf32>,
    %swap3A_55 = vector.shape_cast %swap3A_54 : vector<16xf32> to vector<16xf32>
    %swap3A_56 = vector.shape_cast %broadcast_in_dim3A_52 : vector<16xf32> to vector<16xf32>
    tpu.vector_store %arg10[%swap3A_53], %swap3A_56 {strides = array<i32>} : memref<128xf32, #tpu.memory_space<vmem>>, vector<16xf32>,
    %broadcast_in_dim3A_57 = arith.constant 1.000000e+00 : f32
    %broadcast_in_dim3A_58 = vector.broadcast %broadcast_in_dim3A_57 : f32 to vector<16xf32>
    %swap3A_59 = arith.constant 80 : index
    %swap3A_60 = tpu.vector_load %arg10[%swap3A_59] {strides = array<i32>} : memref<128xf32, #tpu.memory_space<vmem>>, vector<16xf32>,
    %swap3A_61 = vector.shape_cast %swap3A_60 : vector<16xf32> to vector<16xf32>
    %swap3A_62 = vector.shape_cast %broadcast_in_dim3A_58 : vector<16xf32> to vector<16xf32>
    tpu.vector_store %arg10[%swap3A_59], %swap3A_62 {strides = array<i32>} : memref<128xf32, #tpu.memory_space<vmem>>, vector<16xf32>,
    %broadcast_in_dim3A_63 = arith.constant 1.000000e+00 : f32
    %broadcast_in_dim3A_64 = vector.broadcast %broadcast_in_dim3A_63 : f32 to vector<16xf32>
    %swap3A_65 = arith.constant 96 : index
    %swap3A_66 = tpu.vector_load %arg10[%swap3A_65] {strides = array<i32>} : memref<128xf32, #tpu.memory_space<vmem>>, vector<16xf32>,
    %swap3A_67 = vector.shape_cast %swap3A_66 : vector<16xf32> to vector<16xf32>
    %swap3A_68 = vector.shape_cast %broadcast_in_dim3A_64 : vector<16xf32> to vector<16xf32>
    tpu.vector_store %arg10[%swap3A_65], %swap3A_68 {strides = array<i32>} : memref<128xf32, #tpu.memory_space<vmem>>, vector<16xf32>,
    %broadcast_in_dim3A_69 = arith.constant 1.000000e+00 : f32
    %broadcast_in_dim3A_70 = vector.broadcast %broadcast_in_dim3A_69 : f32 to vector<16xf32>
    %swap3A_71 = arith.constant 112 : index
    %swap3A_72 = tpu.vector_load %arg10[%swap3A_71] {strides = array<i32>} : memref<128xf32, #tpu.memory_space<vmem>>, vector<16xf32>,
    %swap3A_73 = vector.shape_cast %swap3A_72 : vector<16xf32> to vector<16xf32>
    %swap3A_74 = vector.shape_cast %broadcast_in_dim3A_70 : vector<16xf32> to vector<16xf32>
    tpu.vector_store %arg10[%swap3A_71], %swap3A_74 {strides = array<i32>} : memref<128xf32, #tpu.memory_space<vmem>>, vector<16xf32>,
    %barrier3A = arith.constant 0 : index
    tpu.barrier barrier_id(%barrier3A)
    "tpu.region"() ({
      %run_scoped3A = tpu.sem_alloc : memref<!tpu.dma_semaphore, #tpu.memory_space<semaphore_mem>>
      %dma_start3A_81 = arith.constant 0 : i32
      %dma_start3A_82 = tpu.memref_slice %arg11[%dma_start3A_81] : memref<8192xf32, #tpu.memory_space<vmem_shared>> -> memref<8192xf32, #tpu.memory_space<vmem_shared>>
      tpu.enqueue_indirect_dma source(%arg10 : memref<128xf32, #tpu.memory_space<vmem>>) target(%dma_start3A_82 : memref<8192xf32, #tpu.memory_space<vmem_shared>>) offsets(%arg7 : memref<128xi32, #tpu.memory_space<vmem>>) semaphore(%run_scoped3A : memref<!tpu.dma_semaphore, #tpu.memory_space<semaphore_mem>>) {add = true}
      %dma_wait3A_83 = arith.constant 0 : i32
      %dma_wait3A_84 = tpu.memref_slice %arg11[%dma_wait3A_83] : memref<8192xf32, #tpu.memory_space<vmem_shared>> -> memref<8192xf32, #tpu.memory_space<vmem_shared>>
      tpu.wait_indirect_dma semaphore(%run_scoped3A : memref<!tpu.dma_semaphore, #tpu.memory_space<semaphore_mem>>) src(%arg10 : memref<128xf32, #tpu.memory_space<vmem>>) dst(%dma_wait3A_84 : memref<8192xf32, #tpu.memory_space<vmem_shared>>)
      tpu.yield
    }) : () -> ()
    "tpu.region"() ({
      %run_scoped3A = tpu.sem_alloc : memref<!tpu.dma_semaphore, #tpu.memory_space<semaphore_mem>>
      %dma_start3A_81 = arith.constant 0 : i32
      %dma_start3A_82 = tpu.memref_slice %arg11[%dma_start3A_81] : memref<8192xf32, #tpu.memory_space<vmem_shared>> -> memref<8192xf32, #tpu.memory_space<vmem_shared>>
      tpu.enqueue_indirect_dma source(%arg10 : memref<128xf32, #tpu.memory_space<vmem>>) target(%dma_start3A_82 : memref<8192xf32, #tpu.memory_space<vmem_shared>>) offsets(%arg8 : memref<128xi32, #tpu.memory_space<vmem>>) semaphore(%run_scoped3A : memref<!tpu.dma_semaphore, #tpu.memory_space<semaphore_mem>>) {add = true}
      %dma_wait3A_83 = arith.constant 0 : i32
      %dma_wait3A_84 = tpu.memref_slice %arg11[%dma_wait3A_83] : memref<8192xf32, #tpu.memory_space<vmem_shared>> -> memref<8192xf32, #tpu.memory_space<vmem_shared>>
      tpu.wait_indirect_dma semaphore(%run_scoped3A : memref<!tpu.dma_semaphore, #tpu.memory_space<semaphore_mem>>) src(%arg10 : memref<128xf32, #tpu.memory_space<vmem>>) dst(%dma_wait3A_84 : memref<8192xf32, #tpu.memory_space<vmem_shared>>)
      tpu.yield
    }) : () -> ()
    %barrier3A_75 = arith.constant 0 : index
    tpu.barrier barrier_id(%barrier3A_75)
    %eq3A_76 = arith.constant 0 : i32
    %eq3A_77 = arith.cmpi eq, %arg1, %eq3A_76 : i32
    %convert_element_type3A_78 = arith.extui %eq3A_77 : i1 to i32
    %cond3A_79 = arith.constant 0 : i32
    %cond3A_80 = arith.cmpi ne, %convert_element_type3A_78, %cond3A_79 : i32
    scf.if %cond3A_80 {
      "tpu.region"() ({
        %run_scoped3A = tpu.sem_alloc : memref<!tpu.dma_semaphore, #tpu.memory_space<semaphore_mem>>
        %dma_start3A_81 = arith.constant 0 : i32
        %dma_start3A_82 = tpu.memref_slice %arg6[%arg0, %dma_start3A_81] : memref<2x8192xf32, #tpu.memory_space<hbm>> -> memref<1x8192xf32, #tpu.memory_space<hbm>>
        %dma_start3A_83 = tpu.memref_squeeze %dma_start3A_82 : memref<1x8192xf32, #tpu.memory_space<hbm>> -> memref<8192xf32, #tpu.memory_space<hbm>>
        tpu.enqueue_dma source(%arg11 : memref<8192xf32, #tpu.memory_space<vmem_shared>>) target(%dma_start3A_83 : memref<8192xf32, #tpu.memory_space<hbm>>) target_semaphore(%run_scoped3A : memref<!tpu.dma_semaphore, #tpu.memory_space<semaphore_mem>>)
        %dma_wait3A_84 = arith.constant 0 : i32
        %dma_wait3A_85 = tpu.memref_slice %arg6[%arg0, %dma_wait3A_84] : memref<2x8192xf32, #tpu.memory_space<hbm>> -> memref<1x8192xf32, #tpu.memory_space<hbm>>
        %dma_wait3A_86 = tpu.memref_squeeze %dma_wait3A_85 : memref<1x8192xf32, #tpu.memory_space<hbm>> -> memref<8192xf32, #tpu.memory_space<hbm>>
        tpu.wait_dma2 semaphore(%run_scoped3A : memref<!tpu.dma_semaphore, #tpu.memory_space<semaphore_mem>>) src(%arg11 : memref<8192xf32, #tpu.memory_space<vmem_shared>>) dst(%dma_wait3A_86 : memref<8192xf32, #tpu.memory_space<hbm>>)
        tpu.yield
      }) : () -> ()
    } else {
    }
    return
  }
}

module attributes {stable_mosaic.version = 14 : i64} {
  func.func @_dist_body(%arg0: i32, %arg1: i32, %arg2: memref<1024x32xf32, #tpu.memory_space<vmem>>, %arg3: memref<2048x32xf32, #tpu.memory_space<vmem>>, %arg4: memref<1024xf32, #tpu.memory_space<vmem>>, %arg5: memref<2048xf32, #tpu.memory_space<vmem>>, %arg6: memref<1024xi32, #tpu.memory_space<vmem>>, %arg7: memref<1024xf32, #tpu.memory_space<vmem>>, %arg8: memref<1024xi32, #tpu.memory_space<vmem>>, %arg9: memref<1024xi32, #tpu.memory_space<vmem>>, %arg10: memref<1024xf32, #tpu.memory_space<vmem>>) attributes {dimension_semantics = [#tpu.dimension_semantics<arbitrary>, #tpu.dimension_semantics<arbitrary>], iteration_bounds = array<i64: 8, 4>, scalar_prefetch = 0 : i64, scratch_operands = 4 : i64, tpu.core_type = #tpu.core_type<tc>, window_params = [{transform_indices = @transform_0, window_bounds = array<i64: 1024, 32>}, {transform_indices = @transform_1, window_bounds = array<i64: 2048, 32>}, {transform_indices = @transform_2, window_bounds = array<i64: 1024>}, {transform_indices = @transform_3, window_bounds = array<i64: 2048>}, {transform_indices = @transform_4, window_bounds = array<i64: 1024>}]} {
    %get3A = arith.constant 0 : index
    %get3A_0 = arith.constant 0 : index
    %get3A_1 = vector.load %arg2[%get3A, %get3A_0] : memref<1024x32xf32, #tpu.memory_space<vmem>>, vector<1024x32xf32>
    %get3A_2 = arith.constant 0 : index
    %get3A_3 = arith.constant 0 : index
    %get3A_4 = vector.load %arg3[%get3A_2, %get3A_3] : memref<2048x32xf32, #tpu.memory_space<vmem>>, vector<2048x32xf32>
    %dot_general3A = arith.constant dense<0.000000e+00> : vector<1024x2048xf32>
    %dot_general3A_5 = tpu.matmul %get3A_1, %get3A_4, %dot_general3A {dimension_numbers = #tpu.dot_dimension_numbers<[1], [1], [0], [0], [0, 0, 1, 0], [], []>, transpose_lhs_hint = false} : vector<1024x32xf32>, vector<2048x32xf32>, vector<1024x2048xf32> -> vector<1024x2048xf32>
    %get3A_6 = arith.constant 0 : index
    %get3A_7 = vector.load %arg4[%get3A_6] : memref<1024xf32, #tpu.memory_space<vmem>>, vector<1024xf32>
    %broadcast_in_dim3A = vector.shape_cast %get3A_7 : vector<1024xf32> to vector<1024x1xf32>
    %sub3A = vector.broadcast %broadcast_in_dim3A : vector<1024x1xf32> to vector<1024x2048xf32>
    %sub3A_8 = arith.subf %sub3A, %dot_general3A_5 : vector<1024x2048xf32>
    %get3A_9 = arith.constant 0 : index
    %get3A_10 = vector.load %arg5[%get3A_9] : memref<2048xf32, #tpu.memory_space<vmem>>, vector<2048xf32>
    %broadcast_in_dim3A_11 = vector.shape_cast %get3A_10 : vector<2048xf32> to vector<1x2048xf32>
    %add3A = vector.broadcast %broadcast_in_dim3A_11 : vector<1x2048xf32> to vector<1024x2048xf32>
    %add3A_12 = arith.addf %sub3A_8, %add3A : vector<1024x2048xf32>
    %reduce_min3A = arith.constant dense<0x7F800000> : vector<1024xf32>
    %reduce_min3A_13 = vector.multi_reduction <minimumf>, %add3A_12, %reduce_min3A [1] : vector<1024x2048xf32> to vector<1024xf32>
    %swap3A = arith.constant 0 : index
    %swap3A_14 = vector.load %arg10[%swap3A] : memref<1024xf32, #tpu.memory_space<vmem>>, vector<1024xf32>
    tpu.vector_store %arg10[%swap3A], %reduce_min3A_13 {strides = array<i32>} : memref<1024xf32, #tpu.memory_space<vmem>>, vector<1024xf32>,
    %get3A_15 = arith.constant 0 : index
    %get3A_16 = vector.load %arg10[%get3A_15] : memref<1024xf32, #tpu.memory_space<vmem>>, vector<1024xf32>
    %max3A = arith.constant 0.000000e+00 : f32
    %max3A_17 = vector.broadcast %max3A : f32 to vector<1024xf32>
    %max3A_18 = arith.maximumf %get3A_16, %max3A_17 : vector<1024xf32>
    %sqrt3A = math.sqrt %max3A_18 : vector<1024xf32>
    %mul3A = arith.mulf %sqrt3A, %sqrt3A : vector<1024xf32>
    %bitcast_convert_type3A = tpu.bitcast %mul3A : vector<1024xf32> -> vector<1024xi32>
    %broadcast_in_dim3A_19 = arith.constant 0xFF800000 : f32
    %broadcast_in_dim3A_20 = vector.broadcast %broadcast_in_dim3A_19 : f32 to vector<1024xf32>
    %add3A_21 = arith.constant -3 : i32
    %add3A_22 = vector.broadcast %add3A_21 : i32 to vector<1024xi32>
    %add3A_23 = arith.addi %bitcast_convert_type3A, %add3A_22 : vector<1024xi32>
    %bitcast_convert_type3A_24 = tpu.bitcast %add3A_23 : vector<1024xi32> -> vector<1024xf32>
    %sqrt3A_25 = math.sqrt %bitcast_convert_type3A_24 : vector<1024xf32>
    %eq3A = arith.cmpf oeq, %sqrt3A_25, %sqrt3A : vector<1024xf32>
    %jit3A = arith.constant 0xFF800000 : f32
    %broadcast_in_dim3A_26 = vector.broadcast %jit3A : f32 to vector<1024xf32>
    %select_n3A = arith.select %eq3A, %bitcast_convert_type3A_24, %broadcast_in_dim3A_26 : vector<1024xi1>, vector<1024xf32>
    %max3A_27 = arith.maximumf %broadcast_in_dim3A_20, %select_n3A : vector<1024xf32>
    %add3A_28 = arith.constant -2 : i32
    %add3A_29 = vector.broadcast %add3A_28 : i32 to vector<1024xi32>
    %add3A_30 = arith.addi %bitcast_convert_type3A, %add3A_29 : vector<1024xi32>
    %bitcast_convert_type3A_31 = tpu.bitcast %add3A_30 : vector<1024xi32> -> vector<1024xf32>
    %sqrt3A_32 = math.sqrt %bitcast_convert_type3A_31 : vector<1024xf32>
    %eq3A_33 = arith.cmpf oeq, %sqrt3A_32, %sqrt3A : vector<1024xf32>
    %jit3A_34 = arith.constant 0xFF800000 : f32
    %broadcast_in_dim3A_35 = vector.broadcast %jit3A_34 : f32 to vector<1024xf32>
    %select_n3A_36 = arith.select %eq3A_33, %bitcast_convert_type3A_31, %broadcast_in_dim3A_35 : vector<1024xi1>, vector<1024xf32>
    %max3A_37 = arith.maximumf %max3A_27, %select_n3A_36 : vector<1024xf32>
    %add3A_38 = arith.constant -1 : i32
    %add3A_39 = vector.broadcast %add3A_38 : i32 to vector<1024xi32>
    %add3A_40 = arith.addi %bitcast_convert_type3A, %add3A_39 : vector<1024xi32>
    %bitcast_convert_type3A_41 = tpu.bitcast %add3A_40 : vector<1024xi32> -> vector<1024xf32>
    %sqrt3A_42 = math.sqrt %bitcast_convert_type3A_41 : vector<1024xf32>
    %eq3A_43 = arith.cmpf oeq, %sqrt3A_42, %sqrt3A : vector<1024xf32>
    %jit3A_44 = arith.constant 0xFF800000 : f32
    %broadcast_in_dim3A_45 = vector.broadcast %jit3A_44 : f32 to vector<1024xf32>
    %select_n3A_46 = arith.select %eq3A_43, %bitcast_convert_type3A_41, %broadcast_in_dim3A_45 : vector<1024xi1>, vector<1024xf32>
    %max3A_47 = arith.maximumf %max3A_37, %select_n3A_46 : vector<1024xf32>
    %add3A_48 = arith.constant 0 : i32
    %add3A_49 = vector.broadcast %add3A_48 : i32 to vector<1024xi32>
    %add3A_50 = arith.addi %bitcast_convert_type3A, %add3A_49 : vector<1024xi32>
    %bitcast_convert_type3A_51 = tpu.bitcast %add3A_50 : vector<1024xi32> -> vector<1024xf32>
    %sqrt3A_52 = math.sqrt %bitcast_convert_type3A_51 : vector<1024xf32>
    %eq3A_53 = arith.cmpf oeq, %sqrt3A_52, %sqrt3A : vector<1024xf32>
    %jit3A_54 = arith.constant 0xFF800000 : f32
    %broadcast_in_dim3A_55 = vector.broadcast %jit3A_54 : f32 to vector<1024xf32>
    %select_n3A_56 = arith.select %eq3A_53, %bitcast_convert_type3A_51, %broadcast_in_dim3A_55 : vector<1024xi1>, vector<1024xf32>
    %max3A_57 = arith.maximumf %max3A_47, %select_n3A_56 : vector<1024xf32>
    %add3A_58 = arith.constant 1 : i32
    %add3A_59 = vector.broadcast %add3A_58 : i32 to vector<1024xi32>
    %add3A_60 = arith.addi %bitcast_convert_type3A, %add3A_59 : vector<1024xi32>
    %bitcast_convert_type3A_61 = tpu.bitcast %add3A_60 : vector<1024xi32> -> vector<1024xf32>
    %sqrt3A_62 = math.sqrt %bitcast_convert_type3A_61 : vector<1024xf32>
    %eq3A_63 = arith.cmpf oeq, %sqrt3A_62, %sqrt3A : vector<1024xf32>
    %jit3A_64 = arith.constant 0xFF800000 : f32
    %broadcast_in_dim3A_65 = vector.broadcast %jit3A_64 : f32 to vector<1024xf32>
    %select_n3A_66 = arith.select %eq3A_63, %bitcast_convert_type3A_61, %broadcast_in_dim3A_65 : vector<1024xi1>, vector<1024xf32>
    %max3A_67 = arith.maximumf %max3A_57, %select_n3A_66 : vector<1024xf32>
    %add3A_68 = arith.constant 2 : i32
    %add3A_69 = vector.broadcast %add3A_68 : i32 to vector<1024xi32>
    %add3A_70 = arith.addi %bitcast_convert_type3A, %add3A_69 : vector<1024xi32>
    %bitcast_convert_type3A_71 = tpu.bitcast %add3A_70 : vector<1024xi32> -> vector<1024xf32>
    %sqrt3A_72 = math.sqrt %bitcast_convert_type3A_71 : vector<1024xf32>
    %eq3A_73 = arith.cmpf oeq, %sqrt3A_72, %sqrt3A : vector<1024xf32>
    %jit3A_74 = arith.constant 0xFF800000 : f32
    %broadcast_in_dim3A_75 = vector.broadcast %jit3A_74 : f32 to vector<1024xf32>
    %select_n3A_76 = arith.select %eq3A_73, %bitcast_convert_type3A_71, %broadcast_in_dim3A_75 : vector<1024xi1>, vector<1024xf32>
    %max3A_77 = arith.maximumf %max3A_67, %select_n3A_76 : vector<1024xf32>
    %add3A_78 = arith.constant 3 : i32
    %add3A_79 = vector.broadcast %add3A_78 : i32 to vector<1024xi32>
    %add3A_80 = arith.addi %bitcast_convert_type3A, %add3A_79 : vector<1024xi32>
    %bitcast_convert_type3A_81 = tpu.bitcast %add3A_80 : vector<1024xi32> -> vector<1024xf32>
    %sqrt3A_82 = math.sqrt %bitcast_convert_type3A_81 : vector<1024xf32>
    %eq3A_83 = arith.cmpf oeq, %sqrt3A_82, %sqrt3A : vector<1024xf32>
    %jit3A_84 = arith.constant 0xFF800000 : f32
    %broadcast_in_dim3A_85 = vector.broadcast %jit3A_84 : f32 to vector<1024xf32>
    %select_n3A_86 = arith.select %eq3A_83, %bitcast_convert_type3A_81, %broadcast_in_dim3A_85 : vector<1024xi1>, vector<1024xf32>
    %max3A_87 = arith.maximumf %max3A_77, %select_n3A_86 : vector<1024xf32>
    %add3A_88 = arith.constant 4 : i32
    %add3A_89 = vector.broadcast %add3A_88 : i32 to vector<1024xi32>
    %add3A_90 = arith.addi %bitcast_convert_type3A, %add3A_89 : vector<1024xi32>
    %bitcast_convert_type3A_91 = tpu.bitcast %add3A_90 : vector<1024xi32> -> vector<1024xf32>
    %sqrt3A_92 = math.sqrt %bitcast_convert_type3A_91 : vector<1024xf32>
    %eq3A_93 = arith.cmpf oeq, %sqrt3A_92, %sqrt3A : vector<1024xf32>
    %jit3A_94 = arith.constant 0xFF800000 : f32
    %broadcast_in_dim3A_95 = vector.broadcast %jit3A_94 : f32 to vector<1024xf32>
    %select_n3A_96 = arith.select %eq3A_93, %bitcast_convert_type3A_91, %broadcast_in_dim3A_95 : vector<1024xi1>, vector<1024xf32>
    %max3A_97 = arith.maximumf %max3A_87, %select_n3A_96 : vector<1024xf32>
    %max3A_98 = arith.maximumf %max3A_97, %get3A_16 : vector<1024xf32>
    %iota3A = tpu.iota {dimensions = array<i32: 1>} : vector<1024x2048xi32>
    %broadcast_in_dim3A_99 = vector.shape_cast %max3A_98 : vector<1024xf32> to vector<1024x1xf32>
    %le3A = vector.broadcast %broadcast_in_dim3A_99 : vector<1024x1xf32> to vector<1024x2048xf32>
    %le3A_100 = arith.cmpf ole, %add3A_12, %le3A : vector<1024x2048xf32>
    %jit3A_101 = arith.constant 2048 : i32
    %broadcast_in_dim3A_102 = vector.broadcast %jit3A_101 : i32 to vector<1024x2048xi32>
    %select_n3A_103 = arith.select %le3A_100, %iota3A, %broadcast_in_dim3A_102 : vector<1024x2048xi1>, vector<1024x2048xi32>
    %reduce_min3A_104 = arith.constant dense<2147483647> : vector<1024xi32>
    %reduce_min3A_105 = vector.multi_reduction <minsi>, %select_n3A_103, %reduce_min3A_104 [1] : vector<1024x2048xi32> to vector<1024xi32>
    %eq3A_106 = arith.constant 0 : i32
    %eq3A_107 = arith.cmpi eq, %arg1, %eq3A_106 : i32
    %convert_element_type3A = arith.extui %eq3A_107 : i1 to i32
    %cond3A = arith.constant 0 : i32
    %cond3A_108 = arith.cmpi ne, %convert_element_type3A, %cond3A : i32
    scf.if %cond3A_108 {
      %bitcast_convert_type3A_118 = tpu.bitcast %sqrt3A : vector<1024xf32> -> vector<1024xi32>
      %add3A_119 = arith.constant 32767 : i32
      %add3A_120 = vector.broadcast %add3A_119 : i32 to vector<1024xi32>
      %add3A_121 = arith.addi %bitcast_convert_type3A_118, %add3A_120 : vector<1024xi32>
      %shift_right_arithmetic3A = arith.constant 16 : i32
      %shift_right_arithmetic3A_122 = vector.broadcast %shift_right_arithmetic3A : i32 to vector<1024xi32>
      %shift_right_arithmetic3A_123 = arith.shrsi %bitcast_convert_type3A_118, %shift_right_arithmetic3A_122 : vector<1024xi32>
      %and3A = arith.constant 1 : i32
      %and3A_124 = vector.broadcast %and3A : i32 to vector<1024xi32>
      %and3A_125 = arith.andi %shift_right_arithmetic3A_123, %and3A_124 : vector<1024xi32>
      %add3A_126 = arith.addi %add3A_121, %and3A_125 : vector<1024xi32>
      %and3A_127 = arith.constant -65536 : i32
      %and3A_128 = vector.broadcast %and3A_127 : i32 to vector<1024xi32>
      %and3A_129 = arith.andi %add3A_126, %and3A_128 : vector<1024xi32>
      %bitcast_convert_type3A_130 = tpu.bitcast %and3A_129 : vector<1024xi32> -> vector<1024xf32>
      %swap3A_131 = arith.constant 0 : index
      %swap3A_132 = vector.load %arg7[%swap3A_131] : memref<1024xf32, #tpu.memory_space<vmem>>, vector<1024xf32>
      tpu.vector_store %arg7[%swap3A_131], %bitcast_convert_type3A_130 {strides = array<i32>} : memref<1024xf32, #tpu.memory_space<vmem>>, vector<1024xf32>,
      %broadcast_in_dim3A_133 = arith.constant 0 : i32
      %broadcast_in_dim3A_134 = vector.broadcast %broadcast_in_dim3A_133 : i32 to vector<1024xi32>
      %swap3A_135 = arith.constant 0 : index
      %swap3A_136 = vector.load %arg8[%swap3A_135] : memref<1024xi32, #tpu.memory_space<vmem>>, vector<1024xi32>
      tpu.vector_store %arg8[%swap3A_135], %broadcast_in_dim3A_134 {strides = array<i32>} : memref<1024xi32, #tpu.memory_space<vmem>>, vector<1024xi32>,
      %swap3A_137 = arith.constant 0 : index
      %swap3A_138 = vector.load %arg9[%swap3A_137] : memref<1024xi32, #tpu.memory_space<vmem>>, vector<1024xi32>
      tpu.vector_store %arg9[%swap3A_137], %reduce_min3A_105 {strides = array<i32>} : memref<1024xi32, #tpu.memory_space<vmem>>, vector<1024xi32>,
    } else {
    }
    %gt3A = arith.constant 0 : i32
    %gt3A_109 = arith.cmpi sgt, %arg1, %gt3A : i32
    %convert_element_type3A_110 = arith.extui %gt3A_109 : i1 to i32
    %cond3A_111 = arith.constant 0 : i32
    %cond3A_112 = arith.cmpi ne, %convert_element_type3A_110, %cond3A_111 : i32
    scf.if %cond3A_112 {
      %get3A_118 = arith.constant 0 : index
      %get3A_119 = vector.load %arg7[%get3A_118] : memref<1024xf32, #tpu.memory_space<vmem>>, vector<1024xf32>
      %lt3A = arith.cmpf olt, %sqrt3A, %get3A_119 : vector<1024xf32>
      %bitcast_convert_type3A_120 = tpu.bitcast %sqrt3A : vector<1024xf32> -> vector<1024xi32>
      %add3A_121 = arith.constant 32767 : i32
      %add3A_122 = vector.broadcast %add3A_121 : i32 to vector<1024xi32>
      %add3A_123 = arith.addi %bitcast_convert_type3A_120, %add3A_122 : vector<1024xi32>
      %shift_right_arithmetic3A = arith.constant 16 : i32
      %shift_right_arithmetic3A_124 = vector.broadcast %shift_right_arithmetic3A : i32 to vector<1024xi32>
      %shift_right_arithmetic3A_125 = arith.shrsi %bitcast_convert_type3A_120, %shift_right_arithmetic3A_124 : vector<1024xi32>
      %and3A = arith.constant 1 : i32
      %and3A_126 = vector.broadcast %and3A : i32 to vector<1024xi32>
      %and3A_127 = arith.andi %shift_right_arithmetic3A_125, %and3A_126 : vector<1024xi32>
      %add3A_128 = arith.addi %add3A_123, %and3A_127 : vector<1024xi32>
      %and3A_129 = arith.constant -65536 : i32
      %and3A_130 = vector.broadcast %and3A_129 : i32 to vector<1024xi32>
      %and3A_131 = arith.andi %add3A_128, %and3A_130 : vector<1024xi32>
      %bitcast_convert_type3A_132 = tpu.bitcast %and3A_131 : vector<1024xi32> -> vector<1024xf32>
      %get3A_133 = arith.constant 0 : index
      %get3A_134 = vector.load %arg7[%get3A_133] : memref<1024xf32, #tpu.memory_space<vmem>>, vector<1024xf32>
      %select_n3A_135 = arith.select %lt3A, %bitcast_convert_type3A_132, %get3A_134 : vector<1024xi1>, vector<1024xf32>
      %swap3A_136 = arith.constant 0 : index
      %swap3A_137 = vector.load %arg7[%swap3A_136] : memref<1024xf32, #tpu.memory_space<vmem>>, vector<1024xf32>
      tpu.vector_store %arg7[%swap3A_136], %select_n3A_135 {strides = array<i32>} : memref<1024xf32, #tpu.memory_space<vmem>>, vector<1024xf32>,
      %get3A_138 = arith.constant 0 : index
      %get3A_139 = vector.load %arg8[%get3A_138] : memref<1024xi32, #tpu.memory_space<vmem>>, vector<1024xi32>
      %broadcast_in_dim3A_140 = vector.broadcast %arg1 : i32 to vector<1024xi32>
      %select_n3A_141 = arith.select %lt3A, %broadcast_in_dim3A_140, %get3A_139 : vector<1024xi1>, vector<1024xi32>
      %swap3A_142 = arith.constant 0 : index
      %swap3A_143 = vector.load %arg8[%swap3A_142] : memref<1024xi32, #tpu.memory_space<vmem>>, vector<1024xi32>
      tpu.vector_store %arg8[%swap3A_142], %select_n3A_141 {strides = array<i32>} : memref<1024xi32, #tpu.memory_space<vmem>>, vector<1024xi32>,
      %get3A_144 = arith.constant 0 : index
      %get3A_145 = vector.load %arg9[%get3A_144] : memref<1024xi32, #tpu.memory_space<vmem>>, vector<1024xi32>
      %select_n3A_146 = arith.select %lt3A, %reduce_min3A_105, %get3A_145 : vector<1024xi1>, vector<1024xi32>
      %swap3A_147 = arith.constant 0 : index
      %swap3A_148 = vector.load %arg9[%swap3A_147] : memref<1024xi32, #tpu.memory_space<vmem>>, vector<1024xi32>
      tpu.vector_store %arg9[%swap3A_147], %select_n3A_146 {strides = array<i32>} : memref<1024xi32, #tpu.memory_space<vmem>>, vector<1024xi32>,
    } else {
    }
    %eq3A_113 = arith.constant 3 : i32
    %eq3A_114 = arith.cmpi eq, %arg1, %eq3A_113 : i32
    %convert_element_type3A_115 = arith.extui %eq3A_114 : i1 to i32
    %cond3A_116 = arith.constant 0 : i32
    %cond3A_117 = arith.cmpi ne, %convert_element_type3A_115, %cond3A_116 : i32
    scf.if %cond3A_117 {
      %get3A_118 = arith.constant 0 : index
      %get3A_119 = vector.load %arg8[%get3A_118] : memref<1024xi32, #tpu.memory_space<vmem>>, vector<1024xi32>
      %mul3A_120 = arith.constant 2048 : i32
      %mul3A_121 = vector.broadcast %mul3A_120 : i32 to vector<1024xi32>
      %mul3A_122 = arith.muli %get3A_119, %mul3A_121 : vector<1024xi32>
      %get3A_123 = arith.constant 0 : index
      %get3A_124 = vector.load %arg9[%get3A_123] : memref<1024xi32, #tpu.memory_space<vmem>>, vector<1024xi32>
      %add3A_125 = arith.addi %mul3A_122, %get3A_124 : vector<1024xi32>
      %swap3A_126 = arith.constant 0 : index
      %swap3A_127 = vector.load %arg6[%swap3A_126] : memref<1024xi32, #tpu.memory_space<vmem>>, vector<1024xi32>
      tpu.vector_store %arg6[%swap3A_126], %add3A_125 {strides = array<i32>} : memref<1024xi32, #tpu.memory_space<vmem>>, vector<1024xi32>,
    } else {
    }
    return
  }
  func.func @transform_0(%arg0: i32, %arg1: i32) -> (i32, i32) {
    %c0_i32 = arith.constant 0 : i32
    %c0_i32_0 = arith.constant 0 : i32
    return %arg0, %c0_i32 : i32, i32
  }
  func.func @transform_1(%arg0: i32, %arg1: i32) -> (i32, i32) {
    %c0_i32 = arith.constant 0 : i32
    %c0_i32_0 = arith.constant 0 : i32
    return %arg1, %c0_i32 : i32, i32
  }
  func.func @transform_2(%arg0: i32, %arg1: i32) -> i32 {
    %c0_i32 = arith.constant 0 : i32
    return %arg0 : i32
  }
  func.func @transform_3(%arg0: i32, %arg1: i32) -> i32 {
    %c0_i32 = arith.constant 0 : i32
    return %arg1 : i32
  }
  func.func @transform_4(%arg0: i32, %arg1: i32) -> i32 {
    %c0_i32 = arith.constant 0 : i32
    return %arg0 : i32
  }
}

module attributes {stable_mosaic.version = 14 : i64} {
  func.func @_scalar_body(%arg0: memref<8192x32xf32, #tpu.memory_space<vmem>>, %arg1: memref<8192x32xf32, #tpu.memory_space<vmem>>, %arg2: memref<2x8192xf32, #tpu.memory_space<vmem>>, %arg3: memref<8192xf32, #tpu.memory_space<vmem>>, %arg4: memref<1x1xf32, #tpu.memory_space<vmem>>, %arg5: memref<1x1xf32, #tpu.memory_space<vmem>>, %arg6: memref<1x1xi32, #tpu.memory_space<vmem>>) attributes {dimension_semantics = [], scalar_prefetch = 0 : i64, scratch_operands = 0 : i64, tpu.core_type = #tpu.core_type<tc>} {
    %get3A = arith.constant 0 : index
    %get3A_0 = arith.constant 0 : index
    %get3A_1 = vector.load %arg0[%get3A, %get3A_0] : memref<8192x32xf32, #tpu.memory_space<vmem>>, vector<8192x32xf32>
    %get3A_2 = arith.constant 0 : index
    %get3A_3 = arith.constant 0 : index
    %get3A_4 = vector.load %arg1[%get3A_2, %get3A_3] : memref<8192x32xf32, #tpu.memory_space<vmem>>, vector<8192x32xf32>
    %sub3A = arith.subf %get3A_4, %get3A_1 : vector<8192x32xf32>
    %mul3A = arith.mulf %sub3A, %sub3A : vector<8192x32xf32>
    %reduce_sum3A = vector.shape_cast %mul3A : vector<8192x32xf32> to vector<1x8192x32xf32>
    %reduce_sum3A_5 = arith.constant dense<0.000000e+00> : vector<1xf32>
    %reduce_sum3A_6 = vector.multi_reduction <add>, %reduce_sum3A, %reduce_sum3A_5 [1, 2] : vector<1x8192x32xf32> to vector<1xf32>
    %reduce_sum3A_7 = vector.shape_cast %reduce_sum3A_6 : vector<1xf32> to vector<1x1x1xf32>
    %reduce_sum3A_8 = vector.extract %reduce_sum3A_7[0, 0, 0] : f32 from vector<1x1x1xf32>
    %mul3A_9 = arith.constant 3.81469727E-6 : f32
    %mul3A_10 = arith.mulf %reduce_sum3A_8, %mul3A_9 : f32
    %reshape3A = vector.broadcast %mul3A_10 : f32 to vector<1x1xf32>
    %swap3A = arith.constant 0 : index
    %swap3A_11 = arith.constant 0 : index
    %swap3A_12 = vector.load %arg4[%swap3A, %swap3A_11] : memref<1x1xf32, #tpu.memory_space<vmem>>, vector<1x1xf32>
    tpu.vector_store %arg4[%swap3A, %swap3A_11], %reshape3A {strides = array<i32>} : memref<1x1xf32, #tpu.memory_space<vmem>>, vector<1x1xf32>,
    %get3A_13 = arith.constant 0 : index
    %get3A_14 = arith.constant 0 : index
    %get3A_15 = vector.load %arg2[%get3A_13, %get3A_14] : memref<2x8192xf32, #tpu.memory_space<vmem>>, vector<1x8192xf32>
    %get3A_16 = vector.shape_cast %get3A_15 : vector<1x8192xf32> to vector<8192xf32>
    %get3A_17 = arith.constant 1 : index
    %get3A_18 = arith.constant 0 : index
    %get3A_19 = vector.load %arg2[%get3A_17, %get3A_18] : memref<2x8192xf32, #tpu.memory_space<vmem>>, vector<1x8192xf32>
    %get3A_20 = vector.shape_cast %get3A_19 : vector<1x8192xf32> to vector<8192xf32>
    %add3A = arith.addf %get3A_16, %get3A_20 : vector<8192xf32>
    %mul3A_21 = arith.constant 1.22070313E-4 : f32
    %mul3A_22 = vector.broadcast %mul3A_21 : f32 to vector<8192xf32>
    %mul3A_23 = arith.mulf %add3A, %mul3A_22 : vector<8192xf32>
    %add3A_24 = arith.constant 1.000000e-10 : f32
    %add3A_25 = vector.broadcast %add3A_24 : f32 to vector<8192xf32>
    %add3A_26 = arith.addf %mul3A_23, %add3A_25 : vector<8192xf32>
    %log3A = math.log %add3A_26 : vector<8192xf32>
    %mul3A_27 = arith.mulf %mul3A_23, %log3A : vector<8192xf32>
    %reduce_sum3A_28 = vector.shape_cast %mul3A_27 : vector<8192xf32> to vector<1x8192xf32>
    %reduce_sum3A_29 = arith.constant dense<0.000000e+00> : vector<1xf32>
    %reduce_sum3A_30 = vector.multi_reduction <add>, %reduce_sum3A_28, %reduce_sum3A_29 [1] : vector<1x8192xf32> to vector<1xf32>
    %reduce_sum3A_31 = vector.shape_cast %reduce_sum3A_30 : vector<1xf32> to vector<1x1xf32>
    %reduce_sum3A_32 = vector.extract %reduce_sum3A_31[0, 0] : f32 from vector<1x1xf32>
    %neg3A = arith.constant 0.000000e+00 : f32
    %neg3A_33 = arith.subf %neg3A, %reduce_sum3A_32 : f32
    %exp3A = math.exp %neg3A_33 : f32
    %reshape3A_34 = vector.broadcast %exp3A : f32 to vector<1x1xf32>
    %swap3A_35 = arith.constant 0 : index
    %swap3A_36 = arith.constant 0 : index
    %swap3A_37 = vector.load %arg5[%swap3A_35, %swap3A_36] : memref<1x1xf32, #tpu.memory_space<vmem>>, vector<1x1xf32>
    tpu.vector_store %arg5[%swap3A_35, %swap3A_36], %reshape3A_34 {strides = array<i32>} : memref<1x1xf32, #tpu.memory_space<vmem>>, vector<1x1xf32>,
    %get3A_38 = arith.constant 0 : index
    %get3A_39 = vector.load %arg3[%get3A_38] : memref<8192xf32, #tpu.memory_space<vmem>>, vector<8192xf32>
    %ge3A = arith.constant 0.00999999977 : f32
    %ge3A_40 = vector.broadcast %ge3A : f32 to vector<8192xf32>
    %ge3A_41 = arith.cmpf oge, %get3A_39, %ge3A_40 : vector<8192xf32>
    %convert_element_type3A = arith.extui %ge3A_41 : vector<8192xi1> to vector<8192xi32>
    %reduce_sum3A_42 = vector.shape_cast %convert_element_type3A : vector<8192xi32> to vector<1x8192xi32>
    %reduce_sum3A_43 = arith.constant dense<0> : vector<1xi32>
    %reduce_sum3A_44 = vector.multi_reduction <add>, %reduce_sum3A_42, %reduce_sum3A_43 [1] : vector<1x8192xi32> to vector<1xi32>
    %reduce_sum3A_45 = vector.shape_cast %reduce_sum3A_44 : vector<1xi32> to vector<1x1xi32>
    %reduce_sum3A_46 = vector.extract %reduce_sum3A_45[0, 0] : i32 from vector<1x1xi32>
    %reshape3A_47 = vector.broadcast %reduce_sum3A_46 : i32 to vector<1x1xi32>
    %swap3A_48 = arith.constant 0 : index
    %swap3A_49 = arith.constant 0 : index
    %swap3A_50 = vector.load %arg6[%swap3A_48, %swap3A_49] : memref<1x1xi32, #tpu.memory_space<vmem>>, vector<1x1xi32>
    tpu.vector_store %arg6[%swap3A_48, %swap3A_49], %reshape3A_47 {strides = array<i32>} : memref<1x1xi32, #tpu.memory_space<vmem>>, vector<1x1xi32>,
    return
  }
}

</mosaic_0001>

<sc_bundles>
// kernel: kernel.5.cloned.1.call-start
scs
__scs_entry_jumppad:
0x0: {  	(pc) =	sbr.rel $0x88, $3  }
0x1: {  	(tag) =	ssettag $0x0;
	lr =	simm.s32 $0x1  }
0x2: {  	[smem:$0x3F9E] =	sst lr;
	_ =	strace $0xD0000000  }
0x3: {  	_ = 	snop  }
0x4: {  	_ = 	snop  }
0x5: {  	_ = 	snop  }
0x6: {  	_ = 	snop  }
0x7: {  	_ = 	snop  }
__scs_overlays_trampoline_lowered:
0x8: {  	[smem:$0x3FAD] =	sst s0  }
0x9: {  	[smem:$0x3FAE] =	sst s1  }
0xa: {  	[smem:$0x3FAF] =	sst s2  }
0xb: {  	[smem:$0x3FB0] =	sst s3  }
0xc: {  	[smem:$0x3FB1] =	sst s4  }
0xd: {  	[smem:$0x3FB2] =	sst s5  }
0xe: {  	[smem:$0x3FB3] =	sst s6  }
0xf: {  	[smem:$0x3FB4] =	sst s7  }
0x10: {  	[smem:$0x3FB5] =	sst s8  }
0x11: {  	[smem:$0x3FB6] =	sst s9;
	s0 =	simm.s32 @!p0 $0x0  }
0x12: {  	s1 =	sld [smem:$0x3F9C];
	s0 =	simm.s32 @p0 $0x1  }
0x13: {  	[smem:$0x3FB7] =	sst s0;
	s0 =	simm.s32 @!p1 $0x0  }
0x14: {  	s2 =	sld [smem:$0x3F9B];
	s0 =	simm.s32 @p1 $0x1  }
0x15: {  	[smem:$0x3FB8] =	sst s0;
	s0 =	simm.s32 @!p2 $0x0  }
0x16: {  	s3 =	sld [smem:$0x3FDB];
	s0 =	simm.s32 @p2 $0x1  }
0x17: {  	s4 =	simm.s32 $0x1BF5;
	[smem:$0x3FBA] =	sst s0  }
0x18: {  	s0 =	sld [smem:$0x3F9D];
	_ =	swait.ge [sflag:s4], $0x0  }
0x19: {  	s7 =	sld [smem:$0x3F9E]  }
0x1a: {  	s8 =	sadd.s32 $0xFFFFE003, lr  }
0x1b: {  	s9 =	sadd.s32 $0xFFFFFEF7, lr;
	s5 =	simm.s32 $0xFFFFFFFF;
	p2 =	slt.u32 s8, $0xFFFFF086  }
0x1c: {  	p1 =	slt.u32 s9, $0xF7A;
	s5 =	simm.s32 @!p2 $0x0  }
0x1d: {  	s5 =	simm.s32 @p1 $0x1;
	p0 =	seq.s32 s7, s2  }
0x1e: {  	s7 =	smul.u32 @!p0 $0xF7A, s2;
	p2 =	seq.s32 @!p0 s5, $0x0  }
0x1f: {  	s9 =	smul.u32 $0xF7A, s1;
	s8 =	simm.s32 @!p0 $0x1BF5;
	p2 =	por !p2, p0  }
0x20: {  	[sflag:s8] =	ssyncset.s32 @!p0 $0xFFFFF086;
	s6 =	sadd.s32 @!p0 s3, s7;
	s7 =	simm.s32 @!p0 $0x108  }
0x21: {  	s3 =	sadd.s32 s3, s9;
	s6 =	sadd.s32 @!p0 $0x88, s6;
	s7 =	simm.s32 @p2 $0x1082  }
0x22: {  	[simem:s7], [sflag:s8] =	dma.local @!p0 [hbm:s6], $0xF7A  }
0x23: {  	s9 =	sor.u32 $0xD0000000, s2;
	s6 =	simm.s32 $0x108;
	_ =	swait.ge @!p0 [sflag:s8], $0x0  }
0x24: {  	s3 =	sadd.s32 $0x88, s3;
	s6 =	simm.s32 @!p1 $0x1082;
	[sflag:s4] =	ssyncset.s32 $0xFFFFF086  }
0x25: {  	[simem:s6], [sflag:s4] =	dma.local [hbm:s3], $0xF7A  }
0x26: {  	[smem:$0x3F9E] =	sst s1;
	(tag) =	ssettag s2;
	_ =	strace s9  }
0x27: {  	s1 =	sld [smem:$0x3FAE]  }
0x28: {  	s2 =	sld [smem:$0x3FAF]  }
0x29: {  	s4 =	sld [smem:$0x3FB1]  }
0x2a: {  	p0 =	seq.s32 s5, $0x0;
	s5 =	sld [smem:$0x3FB2]  }
0x2b: {  	s6 =	sld [smem:$0x3FB3]  }
0x2c: {  	s7 =	sld [smem:$0x3FB4]  }
0x2d: {  	s3 =	simm.s32 $0x108;
	s8 =	sld [smem:$0x3FB5]  }
0x2e: {  	s3 =	simm.s32 @!p0 $0x1082;
	s9 =	sld [smem:$0x3FB6]  }
0x2f: {  	lr =	sadd.s32 s0, s3;
	s0 =	sld [smem:$0x3FAD]  }
0x30: {  	s3 =	sld [smem:$0x3FB0]  }
0x31: {  	[smem:$0x3FB9] =	sst s10  }
0x32: {  	s10 =	sld [smem:$0x3FB7];
	_ =	sdelay $0x3  }
0x33: {  	p0 =	seq.s32 s10, $0x1;
	s10 =	sld [smem:$0x3FB9];
	_ =	sdelay $0x3  }
0x34: {  	[smem:$0x3FB9] =	sst s10  }
0x35: {  	s10 =	sld [smem:$0x3FB8];
	_ =	sdelay $0x3  }
0x36: {  	p1 =	seq.s32 s10, $0x1;
	s10 =	sld [smem:$0x3FB9];
	_ =	sdelay $0x3  }
0x37: {  	[smem:$0x3FB9] =	sst s10  }
0x38: {  	s10 =	sld [smem:$0x3FBA]  }
0x39: {  	_ = 	snop;
	(pc) =	sbr.ind lr, $3  }
0x3a: {  	_ = 	snop  }
0x3b: {  	_ = 	snop  }
0x3c: {  	p2 =	seq.s32 s10, $0x1;
	s10 =	sld [smem:$0x3FB9]  }
0x3d: {  	_ =	shalt  }
0x3e: {  	_ =	shalt  }
0x3f: {  	_ =	shalt  }
0x40: {  	_ =	shalt  }
0x41: {  	_ =	shalt  }
0x42: {  	_ =	shalt  }
0x43: {  	_ =	shalt  }
0x44: {  	_ =	shalt  }
0x45: {  	_ =	shalt  }
0x46: {  	_ =	shalt  }
0x47: {  	_ =	shalt  }
0x48: {  	_ =	shalt  }
0x49: {  	_ =	shalt  }
0x4a: {  	_ =	shalt  }
0x4b: {  	_ =	shalt  }
0x4c: {  	_ =	shalt  }
0x4d: {  	_ =	shalt  }
0x4e: {  	_ =	shalt  }
0x4f: {  	_ =	shalt  }
0x50: {  	_ =	shalt  }
0x51: {  	_ =	shalt  }
0x52: {  	_ =	shalt  }
0x53: {  	_ =	shalt  }
0x54: {  	_ =	shalt  }
0x55: {  	_ =	shalt  }
0x56: {  	_ =	shalt  }
0x57: {  	_ =	shalt  }
0x58: {  	_ =	shalt  }
0x59: {  	_ =	shalt  }
0x5a: {  	_ =	shalt  }
0x5b: {  	_ =	shalt  }
0x5c: {  	_ =	shalt  }
0x5d: {  	_ =	shalt  }
0x5e: {  	_ =	shalt  }
0x5f: {  	_ =	shalt  }
0x60: {  	_ =	shalt  }
0x61: {  	_ =	shalt  }
0x62: {  	_ =	shalt  }
0x63: {  	_ =	shalt  }
0x64: {  	_ =	shalt  }
0x65: {  	_ =	shalt  }
0x66: {  	_ =	shalt  }
0x67: {  	_ =	shalt  }
0x68: {  	_ =	shalt  }
0x69: {  	_ =	shalt  }
0x6a: {  	_ =	shalt  }
0x6b: {  	_ =	shalt  }
0x6c: {  	_ =	shalt  }
0x6d: {  	_ =	shalt  }
0x6e: {  	_ =	shalt  }
0x6f: {  	_ =	shalt  }
0x70: {  	_ =	shalt  }
0x71: {  	_ =	shalt  }
0x72: {  	_ =	shalt  }
0x73: {  	_ =	shalt  }
0x74: {  	_ =	shalt  }
0x75: {  	_ =	shalt  }
0x76: {  	_ =	shalt  }
0x77: {  	_ =	shalt  }
0x78: {  	_ =	shalt  }
0x79: {  	_ =	shalt  }
0x7a: {  	_ =	shalt  }
0x7b: {  	_ =	shalt  }
0x7c: {  	_ =	shalt  }
0x7d: {  	_ =	shalt  }
0x7e: {  	_ =	shalt  }
0x7f: {  	_ =	shalt  }
0x80: {  	_ =	shalt  }
0x81: {  	_ =	shalt  }
0x82: {  	_ =	shalt  }
0x83: {  	_ =	shalt  }
0x84: {  	_ =	shalt  }
0x85: {  	_ =	shalt  }
0x86: {  	_ =	shalt  }
0x87: {  	_ =	shalt  }
.Lfunc_end0:
.L_simem_size_0:
called_computation_lowered:
.L_overlay_start_0:
0x88: {  	s2 =	sld [smem:$0x3FD9]  }
0x89: {  	s3 =	sld [smem:$0x3FFE];
	_ =	sdelay $0x1  }
0x8a: {  	s1 =	srdreg.scid  }
0x8b: {  	s0 =	sand.u32 $0x1, s1  }
0x8c: {  	s14 =	sshll.u32 s0, $0xA;
	s2 =	sadd.s32 s3, s2  }
0x8d: {  	s2 =	sadd.s32 s2, s14  }
0x8e: {  	[smem:$0x3FC5] =	sst s2  }
0x8f: {  	_ = 	snop  }
0x90: {  	s2 =	sld [smem:$0x3FD0];
	_ =	sdelay $0x2  }
0x91: {  	s15 =	simm.s32 $0xA;
	s4 =	simm.s32 $0x10  }
0x92: {  	[smem:s4], [sflag:s15] =	dma.local [hbm:s2], $0x1  }
0x93: {  	_ =	swait.eq [sflag:s15], $0x1  }
0x94: {  	[sflag:s15] =	ssyncset.done $0x0  }
0x95: {  	s16 =	sld [smem:$0x10];
	[sflag:s15] =	ssyncadd.s32 $0xFFFFFFFF  }
0x96: {  	s17 =	sld [smem:$0x14];
	(tm) =	ssettm $0x1  }
0x97: {  	s18 =	sld [smem:$0x3FFB];
	_ =	sdelay $0x3  }
0x98: {  	_ =	strace s18  }
0x99: {  	s4 =	sld [smem:$0x3FFC];
	_ =	sdelay $0x3  }
0x9a: {  	_ =	strace s4  }
0x9b: {  	s4 =	sld [smem:$0x3FFD];
	_ =	sdelay $0x3  }
0x9c: {  	_ =	strace s4  }
0x9d: {  	_ =	strace $0x8FFFFFFF  }
0x9e: {  	s19 =	sld [smem:$0x3FDB];
	_ =	sdelay $0x1  }
0x9f: {  	s5 =	simm.s32 $_scs_section_size  }
0xa0: {  	s6 =	simm.s32 $_size__tile_overlayer_lowered;
	s7 =	simm.s32 $_tile_overlayer_lowered  }
0xa1: {  	s22 =	simm.s32 $0x1BFF;
	s21 =	sshll.u32 s7, $0x1;
	s4 =	sadd.s32 s5, s19  }
0xa2: {  	s8 =	simm.s32 $0x0;
	s20 =	sshll.u32 s6, $0x1;
	s6 =	sadd.s32 s21, s4  }
0xa3: {  	[timem:s8], [sflag:s22] =	dma.local [hbm:s6], s20  }
0xa4: {  	_ =	swait.ge [sflag:s22], s20  }
0xa5: {  	s5 =	ssub.s32 $0x0, s20;
	[sflag:s22] =	ssyncset.done $0x0  }
0xa6: {  	[sflag:s22] =	ssyncadd.s32 s5;
	_ =	sdelay $0x1  }
0xa7: {  	s23 =	simm.s32 $0x1B8B  }
0xa8: {  	_ =	swait.ge [sflag:s23], $0x1  }
0xa9: {  	[sflag:s23] =	ssyncset.done $0x0  }
0xaa: {  	s25 =	simm.s32 $0x1B8E;
	s24 =	sld [smem:$0x3FFE];
	[sflag:s23] =	ssyncadd.s32 $0xFFFFFFFF  }
0xab: {  	s26 =	simm.s32 $execute0_lowered;
	[smem:$0x3FD2] =	sst s25  }
0xac: {  	s6 =	sshll.u32 s26, $0x1;
	_ =	strace $0x80000046;
	[dreg:$0x1] =	wrdreg $0xFFFFFFFF  }
0xad: {  	s28 =	simm.s32 $_size_execute0_lowered;
	s4 =	sadd.s32 s4, s6;
	[dreg:$0x0] =	wrdreg $0x0  }
0xae: {  	s6 =	sshll.u32 s28, $0x1;
	[dreg:$0x2] =	wrdreg s4  }
0xaf: {  	[dreg:$0x3] =	wrdreg s6  }
0xb0: {  	[dreg:$0x4] =	wrdreg $0xC0  }
0xb1: {  	_ =	task [dreg:s8], $0x5FFFF  }
0xb2: {  	[dreg:$0x1] =	wrdreg $0xFFFFFFFF  }
0xb3: {  	[dreg:$0x0] =	wrdreg $0x60  }
0xb4: {  	[dreg:$0x2] =	wrdreg s16  }
0xb5: {  	[dreg:$0x3] =	wrdreg s17  }
0xb6: {  	[dreg:$0x4] =	wrdreg s24  }
0xb7: {  	[dreg:$0x5] =	wrdreg $0x21800  }
0xb8: {  	[dreg:$0x6] =	wrdreg $0x9  }
0xb9: {  	_ =	task.clear_ibuf [dreg:s8], $0x7FFFF;
	_ =	strace $0x90000046  }
0xba: {  	s29 =	simm.s32 $0x9;
	_ =	strace $0x80000048  }
0xbb: {  	_ =	swait.ge [sflag:s29], $0x1  }
0xbc: {  	[sflag:s29] =	ssyncadd.s32 $0xFFFFFFFF  }
0xbd: {  	_ =	strace $0x90000048  }
0xbe: {  	_ =	sfence  }
0xbf: {  	s30 =	sld [smem:$0x0];
	_ =	sdelay $0x2  }
0xc0: {  	s31 =	sshll.u32 s1, $0xD;
	s1 =	sshrl.u32 s1, $0x2  }
0xc1: {  	s3 =	sand.u32 $0x4000, s31;
	s1 =	sadd.s32 s1, s30  }
0xc2: {  	s0 =	sor.u32 s3, s0;
	s1 =	sshll.u32 s1, $0x11  }
0xc3: {  	s0 =	sor.u32 s1, s0  }
0xc4: {  	s0 =	sadd.s32 $0x8F2B, s0  }
0xc5: {  	[sflag:s0] =	ssyncadd.remote.s32 $0x1  }
0xc6: {  	_ =	sfence.sel $0xFFFF  }
0xc7: {  	[dreg:$0x0] =	wrdreg $0xFFFFFFFF;
	(pc) =	sbr.abs _section_cstart, $3  }
0xc8: {  	[dreg:$0x1] =	wrdreg $0xFFFFFFFF  }
0xc9: {  	_ =	task.clear_ibuf [dreg:s8], $0x2FFFF;
	_ =	strace $0x9FFFFFFF  }
0xca: {  	(tm) =	ssettm $0x7FFFFFFF  }
0xcb: {  	_ =	shalt  }
tec
execute0_lowered:
.L_overlay_start_1:
0x0: {  	(tag) =	ssettag $0x1  }
0x1: {  	s1 =	rddreg [dreg:$0x0]  }
0x2: {  	s8 =	rddreg [dreg:$0x1]  }
0x3: {  	s15 =	rddreg [dreg:$0x2]  }
0x4: {  	s2 =	rddreg [dreg:$0x3];
	s4 =	srdreg.scid  }
0x5: {  	s0 =	rddreg [dreg:$0x4];
	s3 =	simm.s32 $0x0;
	s30 =	stileid.u32  }
0x6: {  	s16 =	sand.u32 $0x1, s4;
	[smem:$0x7FF] =	sst s3;
	s9 =	sshll.u32 s30, $0x9  }
0x7: {  	p0 =	sne.s32 s30, $0x0;
	s5 =	sshll.u32 s16, $0xA;
	_ =	strace $0x80000047  }
0x8: {  	s10 =	sshll.u32 s16, $0x8;
	s6 =	simm.s32 @!p0 $0x1C02;
	s17 =	sadd.s32 s5, s15  }
0x9: {  	s4 =	simm.s32 @!p0 $0x2;
	s5 =	sshrl.u32 @!p0 s2, $0x3;
	s7 =	sadd.s32 $0xA00, s17  }
0xa: {  	[spmem:s5], [sflag:s6] =	dma.local @!p0 [hbm:s7], $0x400  }
0xb: {  	s18 =	sor.u32 s10, s9;
	_ =	swait.ge @!p0 [sflag:s4], $0x400  }
0xc: {  	s9 =	sshrl.u32 s18, $0x3;
	[sflag:s4] =	ssyncset.done @!p0 $0x0  }
0xd: {  	s9 =	sadd.s32 s8, s9;
	s8 =	simm.s32 $0x2;
	[sflag:s4] =	ssyncadd.s32 @!p0 $0xFFFFFC00  }
0xe: {  	[tilespmem:s3], [sflag:$0x2] =	stream.linear.gather [hbm4b:s9+s3], $0x80, $0x38;
	[tilespmem:$0x2380] =	vst v63  }
0xf: {  	_ =	swait.ge [sflag:s8], $0x80  }
0x10: {  	[sflag:s8] =	ssyncset.done $0x0  }
0x11: {  	s11 =	simm.s32 $0x80;
	s10 =	sadd.s32 $0x10, s9;
	[sflag:s8] =	ssyncadd.s32 $0xFFFFFF80  }
0x12: {  	[tilespmem:s11], [sflag:$0x2] =	stream.linear.gather [hbm4b:s10+s3], $0x80, $0x38;
	[tilespmem:$0x2380] =	vst v63  }
0x13: {  	_ =	swait.ge [sflag:s8], $0x80  }
0x14: {  	[sflag:s8] =	ssyncset.done $0x0  }
0x15: {  	s12 =	simm.s32 $0x100;
	[sflag:s8] =	ssyncadd.s32 $0xFFFFFF80  }
0x16: {  	[tilespmem:s12], [sflag:$0x1] =	stream.indirect.gather [hbm4b:s1+s11], $0x20, s3, s11, $0xb8;
	[tilespmem:$0x2380] =	vst v63  }
0x17: {  	s13 =	simm.s32 $0x1100;
	s14 =	simm.s32 $0x1  }
0x18: {  	[tilespmem:s13], [sflag:$0x1] =	stream.indirect.gather [hbm4b:s1+s11], $0x20, s11, s11, $0xb8;
	[tilespmem:$0x2380] =	vst v63  }
0x19: {  	_ =	swait.ge [sflag:s14], $0x1000  }
0x1a: {  	[sflag:s14] =	ssyncset.done $0x0  }
0x1b: {  	[sflag:s14] =	ssyncadd.s32 $0xFFFFF000  }
0x1c: {  	s18 =	sshll.u32 s18, $0x2;
	_ =	swait.ge [sflag:s14], $0x1000  }
0x1d: {  	s15 =	sadd.s32 s18, s15;
	[sflag:s14] =	ssyncset.done $0x0  }
0x1e: {  	s15 =	sadd.s32 $0x1200, s15;
	[sflag:s14] =	ssyncadd.s32 $0xFFFFF000  }
0x1f: {  	[hbm4b:s15+s3] =	stream.linear.scatter [tilespmem:s12], [sflag:$0x2], $0x2000, $0x38;
	[tilespmem:$0x2380] =	vst v63  }
0x20: {  	_ =	swait.ge [sflag:s8], $0x2000  }
0x21: {  	[sflag:s8] =	ssyncset.done $0x0  }
0x22: {  	v0 =	vimm.f32 $1.000000000e+00;
	[sflag:s8] =	ssyncadd.s32 $0xFFFFE000  }
0x23: {  	[tilespmem:$0x2170] =	vst v0  }
0x24: {  	[tilespmem:$0x2160] =	vst v0  }
0x25: {  	[tilespmem:$0x2150] =	vst v0  }
0x26: {  	s31 =	ssub.s32 $0x2, s16;
	[tilespmem:$0x2140] =	vst v0  }
0x27: {  	s19 =	sshrl.u32 s31, $0x1;
	[tilespmem:$0x2130] =	vst v0  }
0x28: {  	s18 =	ssub.s32 s31, s19;
	[tilespmem:$0x2120] =	vst v0  }
0x29: {  	s18 =	smax.u32 s18, $0x1;
	[tilespmem:$0x2100] =	vst v0  }
0x2a: {  	s18 =	sadd.s32 $0xFFFFFFFF, s18;
	[tilespmem:$0x2110] =	vst v0  }
0x2b: {  	s16 =	simm.s32 $0x2100;
	p1 =	sne.s32 s18, $0x0;
	[bflag:$0x0] =	sbarrier.arrive $0xFFFF  }
0x2c: {  	[spmem:s2] =	stream.indirect.scatter.add.f32 [tilespmem:s16], [sflag:$0x2], $0x1, s3, s11, $0xb8;
	[tilespmem:$0x2380] =	vst v63  }
.Ltmp0:
0x2d: {  	_ = 	snop;
	(pc) =	sbr.rel @!p1 .LBB2_2-.Ltmp0, $4  }
0x2e: {  	_ =	swait.ge [sflag:s8], $0x80  }
0x2f: {  	[sflag:s8] =	ssyncset.done $0x0  }
0x30: {  	s17 =	sadd.s32 $0x9200, s17;
	[sflag:s8] =	ssyncadd.s32 $0xFFFFFF80  }
0x31: {  	[spmem:s2] =	stream.indirect.scatter.add.f32 [tilespmem:s16], [sflag:$0x2], $0x1, s11, s11, $0xb8;
	[tilespmem:$0x2380] =	vst v63  }
.LBB2_1:
0x32: {  	s18 =	sadd.s32 $0xFFFFFFFF, s18;
	_ =	swait.ge [sflag:s8], $0x80  }
0x33: {  	p1 =	sne.s32 s18, $0x0;
	[sflag:s8] =	ssyncset.done $0x0  }
0x34: {  	[sflag:s8] =	ssyncadd.s32 $0xFFFFFF80  }
0x35: {  	[bflag:$0x0] =	sbarrier.arrive $0xFFFF  }
0x36: {  	[hbm:s17], [sflag:s6] =	dma.local @!p0 [spmem:s5], $0x400  }
0x37: {  	_ =	swait.ge @!p0 [sflag:s4], $0x400  }
0x38: {  	[sflag:s4] =	ssyncset.done @!p0 $0x0  }
0x39: {  	[sflag:s4] =	ssyncadd.s32 @!p0 $0xFFFFFC00  }
0x3a: {  	[spmem:s5], [sflag:s6] =	dma.local @!p0 [hbm:s7], $0x400  }
0x3b: {  	_ =	swait.ge @!p0 [sflag:s4], $0x400  }
0x3c: {  	[sflag:s4] =	ssyncset.done @!p0 $0x0  }
0x3d: {  	[sflag:s4] =	ssyncadd.s32 @!p0 $0xFFFFFC00  }
0x3e: {  	[tilespmem:s3], [sflag:$0x2] =	stream.linear.gather [hbm4b:s9+s3], $0x80, $0x38;
	[tilespmem:$0x2380] =	vst v63  }
0x3f: {  	_ =	swait.ge [sflag:s8], $0x80  }
0x40: {  	[sflag:s8] =	ssyncset.done $0x0  }
0x41: {  	[sflag:s8] =	ssyncadd.s32 $0xFFFFFF80  }
0x42: {  	[tilespmem:s11], [sflag:$0x2] =	stream.linear.gather [hbm4b:s10+s3], $0x80, $0x38;
	[tilespmem:$0x2380] =	vst v63  }
0x43: {  	_ =	swait.ge [sflag:s8], $0x80  }
0x44: {  	[sflag:s8] =	ssyncset.done $0x0  }
0x45: {  	[sflag:s8] =	ssyncadd.s32 $0xFFFFFF80  }
0x46: {  	[tilespmem:s12], [sflag:$0x1] =	stream.indirect.gather [hbm4b:s1+s11], $0x20, s3, s11, $0xb8;
	[tilespmem:$0x2380] =	vst v63  }
0x47: {  	_ = 	snop  }
0x48: {  	[tilespmem:s13], [sflag:$0x1] =	stream.indirect.gather [hbm4b:s1+s11], $0x20, s11, s11, $0xb8;
	[tilespmem:$0x2380] =	vst v63  }
0x49: {  	_ =	swait.ge [sflag:s14], $0x1000  }
0x4a: {  	[sflag:s14] =	ssyncset.done $0x0  }
0x4b: {  	[sflag:s14] =	ssyncadd.s32 $0xFFFFF000  }
0x4c: {  	_ =	swait.ge [sflag:s14], $0x1000  }
0x4d: {  	[sflag:s14] =	ssyncset.done $0x0  }
0x4e: {  	[sflag:s14] =	ssyncadd.s32 $0xFFFFF000  }
0x4f: {  	[hbm4b:s15+s3] =	stream.linear.scatter [tilespmem:s12], [sflag:$0x2], $0x2000, $0x38;
	[tilespmem:$0x2380] =	vst v63  }
0x50: {  	_ =	swait.ge [sflag:s8], $0x2000  }
0x51: {  	[sflag:s8] =	ssyncset.done $0x0  }
0x52: {  	[sflag:s8] =	ssyncadd.s32 $0xFFFFE000  }
0x53: {  	[tilespmem:$0x2170] =	vst v0  }
0x54: {  	[tilespmem:$0x2160] =	vst v0  }
0x55: {  	[tilespmem:$0x2150] =	vst v0  }
0x56: {  	[tilespmem:$0x2140] =	vst v0  }
0x57: {  	[tilespmem:$0x2130] =	vst v0  }
0x58: {  	[tilespmem:$0x2120] =	vst v0  }
0x59: {  	[tilespmem:$0x2100] =	vst v0  }
0x5a: {  	[tilespmem:$0x2110] =	vst v0  }
0x5b: {  	[bflag:$0x0] =	sbarrier.arrive $0xFFFF  }
0x5c: {  	[spmem:s2] =	stream.indirect.scatter.add.f32 [tilespmem:s16], [sflag:$0x2], $0x1, s3, s11, $0xb8;
	[tilespmem:$0x2380] =	vst v63  }
.Ltmp1:
0x5d: {  	_ = 	snop;
	(pc) =	sbr.rel @p1 .LBB2_1-.Ltmp1, $4  }
0x5e: {  	_ =	swait.ge [sflag:s8], $0x80  }
0x5f: {  	[sflag:s8] =	ssyncset.done $0x0  }
0x60: {  	[sflag:s8] =	ssyncadd.s32 $0xFFFFFF80  }
0x61: {  	[spmem:s2] =	stream.indirect.scatter.add.f32 [tilespmem:s16], [sflag:$0x2], $0x1, s11, s11, $0xb8;
	[tilespmem:$0x2380] =	vst v63  }
.LBB2_2:
0x62: {  	_ =	swait.ge [sflag:s8], $0x80  }
0x63: {  	[sflag:s8] =	ssyncset.done $0x0  }
0x64: {  	[sflag:s8] =	ssyncadd.s32 $0xFFFFFF80  }
0x65: {  	[bflag:$0x0] =	sbarrier.arrive $0xFFFF  }
0x66: {  	[hbm:s17], [sflag:s6] =	dma.local @!p0 [spmem:s5], $0x400  }
0x67: {  	_ =	swait.ge @!p0 [sflag:s4], $0x400  }
0x68: {  	[sflag:s4] =	ssyncset.done @!p0 $0x0  }
0x69: {  	[sflag:s4] =	ssyncadd.s32 @!p0 $0xFFFFFC00  }
0x6a: {  	_ =	sfence.sel $0x180000  }
0x6b: {  	[bflag:$0x0] =	sbarrier.arrive $0xFFFF  }
0x6c: {  	_ =	strace $0x90000047  }
0x6d: {  	s0 =	sadd.s32 @!p0 $0x100000, s0;
	[bflag:$0x2] =	sbarrier.arrive $0xFFFF  }
0x6e: {  	[sflag:s0] =	ssyncadd.tile.s32 @!p0 $0x1;
	_ =	shalt  }
.Lfunc_end2:
_tile_overlayer_lowered:
.L_overlay_start_2:
0x6f: {  	(tag) =	ssettag $0x2  }
0x70: {  	s0 =	rddreg [dreg:$0x0];
	s2 =	stileid.u32  }
0x71: {  	s1 =	rddreg [dreg:$0x1];
	p0 =	sne.s32 s2, $0x0  }
0x72: {  	s3 =	rddreg [dreg:$0x2];
	[bflag:$0x3] =	sbarrier.arrive $0xFFFF;
	s2 =	simm.s32 @!p0 $0x1C02  }
0x73: {  	[timem:s3], [sflag:s2] =	dma.local @!p0 [hbm:s0], s1  }
0x74: {  	s0 =	simm.s32 @!p0 $0x2  }
0x75: {  	_ =	swait.ge @!p0 [sflag:s0], s1  }
0x76: {  	s1 =	ssub.s32 @!p0 $0x0, s1;
	[sflag:s0] =	ssyncset.done @!p0 $0x0  }
0x77: {  	[sflag:s0] =	ssyncadd.s32 @!p0 s1  }
0x78: {  	[bflag:$0x3] =	sbarrier.arrive $0xFFFF  }
0x79: {  	_ =	shalt  }

</sc_bundles>
